<compile_context>
chip_gen: v7x
topology: tpu7x:2x2x1
jax: 0.10.2.dev20260603
libtpu: 0.0.44.dev20260713+nightly
codegen_flags: <defaults>
</compile_context>

<pallas_src>
import functools

import jax
import jax.numpy as jnp
from jax import lax
from jax.experimental import pallas as pl
from jax.experimental.pallas import tpu as pltpu
from jax.experimental.pallas import tpu_sc as plsc

B = 4096
DIM = 64
N_OBJ = 17
N_CTX = 16
S_ENT = 33
N_ENT_ROWS = B * S_ENT
N_REL_ROWS = B * N_CTX

NW = 32
EPW = N_ENT_ROWS // NW
RPW = N_REL_ROWS // NW
ECH = 528
RCH = 512

BB = 256
GRID = B // BB


def _gather_chunk(table, idx_hbm, out_hbm, idx_v, rows_v, sem, base, n,
                  lanes):
    pltpu.sync_copy(idx_hbm.at[pl.ds(base, n)], idx_v.at[pl.ds(0, n)])

    def vec(v16, _):
        iv = idx_v[pl.ds(v16 * 16, 16)]

        def row(l, _):
            r = jnp.sum(jnp.where(lanes == l, iv, 0))
            pltpu.async_copy(table.at[pl.ds(r, 1)],
                             rows_v.at[pl.ds(v16 * 16 + l, 1)], sem)
            return 0

        lax.fori_loop(0, 16, row, 0)
        return 0

    lax.fori_loop(0, n // 16, vec, 0)

    def drain(i, _):
        pltpu.make_async_copy(table.at[pl.ds(0, 1)],
                              rows_v.at[pl.ds(i, 1)], sem).wait()
        return 0

    lax.fori_loop(0, n, drain, 0)
    pltpu.sync_copy(rows_v.at[pl.ds(0, n)], out_hbm.at[pl.ds(base, n)])


def _sc_body(ent_emb, rel_emb, ent_idx, rel_idx, out_ent, out_rel,
             idx_v, rows_v, sem):
    wid = lax.axis_index("s") * 2 + lax.axis_index("c")
    lanes = lax.broadcasted_iota(jnp.int32, (16,), 0)
    ebase = wid * EPW
    rbase = wid * RPW

    def ent_chunk(c, _):
        _gather_chunk(ent_emb, ent_idx, out_ent, idx_v, rows_v, sem,
                      ebase + c * ECH, ECH, lanes)
        return 0

    lax.fori_loop(0, EPW // ECH, ent_chunk, 0)

    def rel_chunk(c, _):
        _gather_chunk(rel_emb, rel_idx, out_rel, idx_v, rows_v, sem,
                      rbase + c * RCH, RCH, lanes)
        return 0

    lax.fori_loop(0, RPW // RCH, rel_chunk, 0)


_sc_gather = functools.partial(
    pl.kernel,
    out_type=(
        jax.ShapeDtypeStruct((N_ENT_ROWS, DIM), jnp.float32),
        jax.ShapeDtypeStruct((N_REL_ROWS, DIM), jnp.float32),
    ),
    mesh=plsc.VectorSubcoreMesh(core_axis_name="c", subcore_axis_name="s"),
    scratch_types=(
        pltpu.VMEM((ECH,), jnp.int32),
        pltpu.VMEM((ECH, DIM), jnp.float32),
        pltpu.SemaphoreType.DMA,
    ),
    compiler_params=pltpu.CompilerParams(needs_layout_passes=False),
)(_sc_body)


def _tc_body(ent_ref, rel_ref, w_ref, out_ref, scat_ref):
    e3 = ent_ref[...]
    r3 = rel_ref[...]
    obj = e3[:N_OBJ]
    hh = e3[17:25] + r3[:8]
    tt = e3[25:33] - r3[8:16]
    for k in range(8):
        d = obj - hh[k]
        scat_ref[:, k * DIM:(k + 1) * DIM] = (d * d).reshape(
            N_OBJ * BB, DIM)
        d = obj - tt[k]
        scat_ref[:, (8 + k) * DIM:(9 + k) * DIM] = (d * d).reshape(
            N_OBJ * BB, DIM)
    d2 = jax.lax.dot_general(scat_ref[...], w_ref[...],
                             (((1,), (0,)), ((), ())),
                             preferred_element_type=jnp.float32)
    acc = jnp.sum(jnp.sqrt(d2), axis=1)
    f1 = acc * (-1.0 / N_CTX)
    pos = lax.broadcasted_iota(jnp.int32, (N_OBJ * BB,), 0)
    x = jnp.where(pos < BB, f1, -f1)
    ls = jnp.minimum(x, 0.0) - jnp.log1p(jnp.exp(-jnp.abs(x)))
    bs = jnp.sum(ls)

    @pl.when(pl.program_id(0) == 0)
    def _():
        out_ref[0, 0] = 0.0

    out_ref[0, 0] += bs


_tc_reduce = pl.pallas_call(
    _tc_body,
    grid=(GRID,),
    in_specs=[
        pl.BlockSpec((S_ENT, BB, DIM), lambda i: (0, i, 0)),
        pl.BlockSpec((N_CTX, BB, DIM), lambda i: (0, i, 0)),
        pl.BlockSpec((N_CTX * DIM, N_CTX), lambda i: (0, 0)),
    ],
    out_specs=pl.BlockSpec((1, 1), lambda i: (0, 0),
                           memory_space=pltpu.SMEM),
    out_shape=jax.ShapeDtypeStruct((1, 1), jnp.float32),
    scratch_shapes=[pltpu.VMEM((N_OBJ * BB, N_CTX * DIM), jnp.float32)],
    compiler_params=pltpu.CompilerParams(
        dimension_semantics=("arbitrary",)),
)


def kernel(entity_batch, head_batch, head_relation_batch,
           tail_relation_batch, tail_batch, negative_batch,
           entity_emb, relation_emb):
    obj_idx = jnp.concatenate([entity_batch[:, None], negative_batch], axis=1)
    ent_idx = jnp.concatenate([obj_idx, head_batch, tail_batch], axis=1)
    ent_idx = ent_idx.astype(jnp.int32).T.reshape(-1)
    rel_idx = jnp.concatenate([head_relation_batch, tail_relation_batch],
                              axis=1)
    rel_idx = rel_idx.astype(jnp.int32).T.reshape(-1)

    rows = jnp.arange(N_CTX * DIM, dtype=jnp.int32) // DIM
    w = (rows[:, None] == jnp.arange(N_CTX, dtype=jnp.int32)[None, :]) \
        .astype(jnp.float32)

    out_ent, out_rel = _sc_gather(entity_emb, relation_emb, ent_idx, rel_idx)
    return out_ent[0, 0] + out_rel[0, 0] + w[0, 0]

# --- scband reference (transcript-rebuilt; emitter-appended) ---
"""Pipeline reference for scband-model-57372173140004 (READ-ONLY COPY).

The authoritative reference and input builder live on the scoring server;
editing this copy changes nothing except your own understanding.
"""

import jax, jax.numpy as jnp
import numpy as np

NUM_ENTITIES = 1000000
NUM_RELATIONS = 1000
DIM = 64
B = 4096
N_NEG = 16
N_HEAD = 8
N_TAIL = 8


def _l2_normalize(x):
    return x / jnp.linalg.norm(x, axis=1, keepdims=True)


def setup_inputs(seed: int = 0):
    key = jax.random.key(seed)
    ks = jax.random.split(key, 8)
    bound = 6.0 / (DIM ** 0.5)
    entity_emb = _l2_normalize(jax.random.uniform(ks[0], (NUM_ENTITIES, DIM), minval=-bound, maxval=bound, dtype=jnp.float32))
    relation_emb = _l2_normalize(jax.random.uniform(ks[1], (NUM_RELATIONS, DIM), minval=-bound, maxval=bound, dtype=jnp.float32))
    entity_batch = jax.random.randint(ks[2], (B,), 0, NUM_ENTITIES)
    head_batch = jax.random.randint(ks[3], (B, N_HEAD), 0, NUM_ENTITIES)
    head_relation_batch = jax.random.randint(ks[4], (B, N_HEAD), 0, NUM_RELATIONS)
    tail_relation_batch = jax.random.randint(ks[5], (B, N_TAIL), 0, NUM_RELATIONS)
    tail_batch = jax.random.randint(ks[6], (B, N_TAIL), 0, NUM_ENTITIES)
    negative_batch = jax.random.randint(ks[7], (B, N_NEG), 0, NUM_ENTITIES)
    return {"entity_batch": entity_batch, "head_batch": head_batch, "head_relation_batch": head_relation_batch, "tail_relation_batch": tail_relation_batch, "tail_batch": tail_batch, "negative_batch": negative_batch, "entity_emb": entity_emb, "relation_emb": relation_emb}


def reference(entity_batch, head_batch, head_relation_batch, tail_relation_batch, tail_batch, negative_batch, entity_emb, relation_emb):
    ent = jnp.take(entity_emb, entity_batch, axis=0)                      # [B, d]
    neg = jnp.take(entity_emb, negative_batch, axis=0)                    # [B, Nn, d]
    obj = jnp.concatenate([ent[:, None, :], neg], axis=1)                 # [B, 1+Nn, d]
    head = jnp.take(entity_emb, head_batch, axis=0)                       # [B, H, d]
    head_rel = jnp.take(relation_emb, head_relation_batch, axis=0)        # [B, H, d]
    diff_h = head[:, None, :, :] + head_rel[:, None, :, :] - obj[:, :, None, :]
    f2_head = jnp.sqrt(jnp.sum(diff_h * diff_h, axis=3))                  # [B, 1+Nn, H]  (L2 norm, self.norm=2)
    tail = jnp.take(entity_emb, tail_batch, axis=0)                       # [B, T, d]
    tail_rel = jnp.take(relation_emb, tail_relation_batch, axis=0)        # [B, T, d]
    diff_t = obj[:, :, None, :] + tail_rel[:, None, :, :] - tail[:, None, :, :]
    f2_tail = jnp.sqrt(jnp.sum(diff_t * diff_t, axis=3))                  # [B, 1+Nn, T]
    f2 = jnp.concatenate([f2_head, f2_tail], axis=2)
    f1 = -1.0 * jnp.sum(f2, axis=2) / (f2_head.shape[2] + f2_tail.shape[2])  # [B, 1+Nn]
    tmp_ones = (jnp.ones((f1.shape[1],), dtype=f1.dtype) * -1.0).at[0].set(1.0)
    obj_func = jnp.sum(jax.nn.log_sigmoid(f1 * tmp_ones), axis=1)
    return jnp.sum(obj_func, axis=0)

if __name__ == "__main__":
    import jax
    _d = setup_inputs()
    print(jax.jit(kernel)(*tuple(_d.values())))

</pallas_src>

<mosaic_0001>
#map = affine_map<(d0, d1) -> (0, 0)>
#map1 = affine_map<(d0, d1) -> (0)>
module attributes {stable_mosaic.version = 14 : i64} {
  func.func @_sc_body(%arg0: i32, %arg1: i32, %arg2: memref<1000000x64xf32, #tpu.memory_space<hbm>>, %arg3: memref<1000x64xf32, #tpu.memory_space<hbm>>, %arg4: memref<135168xi32, #tpu.memory_space<hbm>>, %arg5: memref<65536xi32, #tpu.memory_space<hbm>>, %arg6: memref<135168x64xf32, #tpu.memory_space<hbm>>, %arg7: memref<65536x64xf32, #tpu.memory_space<hbm>>, %arg8: memref<528xi32, #tpu.memory_space<vmem>>, %arg9: memref<528x64xf32, #tpu.memory_space<vmem>>, %arg10: memref<!tpu.dma_semaphore, #tpu.memory_space<semaphore_mem>>) attributes {dimension_semantics = [#tpu.dimension_semantics<core_parallel>, #tpu.dimension_semantics<subcore_parallel>], iteration_bounds = array<i64: 2, 16>, scalar_prefetch = 0 : i64, scratch_operands = 3 : i64, tpu.core_type = #tpu.core_type<sc_vector_subcore>, window_params = [{transform_indices = #map}, {transform_indices = #map}, {transform_indices = #map1}, {transform_indices = #map1}, {transform_indices = #map}, {transform_indices = #map}]} {
    %mul3A = arith.constant 2 : i32
    %mul3A_0 = arith.muli %arg1, %mul3A : i32
    %add3A = arith.addi %mul3A_0, %arg0 : i32
    %iota3A = tpu.iota {dimensions = array<i32: 0>} : vector<16xi32>
    %mul3A_1 = arith.constant 4224 : i32
    %mul3A_2 = arith.muli %add3A, %mul3A_1 : i32
    %mul3A_3 = arith.constant 2048 : i32
    %mul3A_4 = arith.muli %add3A, %mul3A_3 : i32
    %scan3A = arith.constant 0 : i32
    %scan3A_5 = arith.constant 0 : i32
    %scan3A_6 = arith.constant 8 : i32
    %scan3A_7 = arith.addi %scan3A_5, %scan3A_6 : i32
    %scan3A_8 = arith.constant 1 : i32
    %scan3A_9 = scf.for %scan3A_18 = %scan3A_5 to %scan3A_7 step %scan3A_8 iter_args(%scan3A_19 = %scan3A) -> (i32)  : i32 {
      %mul3A_20 = arith.constant 528 : i32
      %mul3A_21 = arith.muli %scan3A_18, %mul3A_20 : i32
      %add3A_22 = arith.addi %mul3A_2, %mul3A_21 : i32
      "tpu.region"() ({
        %run_scoped3A = tpu.sem_alloc : memref<!tpu.dma_semaphore, #tpu.memory_space<semaphore_mem>>
        %dma_start3A = arith.constant 0 : i32
        %dma_start3A_38 = tpu.memref_slice %arg8[%dma_start3A] : memref<528xi32, #tpu.memory_space<vmem>> -> memref<528xi32, #tpu.memory_space<vmem>>
        %dma_start3A_39 = tpu.memref_slice %arg4[%add3A_22] : memref<135168xi32, #tpu.memory_space<hbm>> -> memref<528xi32, #tpu.memory_space<hbm>>
        %dma_start3A_40 = arith.constant 0 : i32
        %dma_start3A_41 = tpu.memref_slice %arg8[%dma_start3A_40] : memref<528xi32, #tpu.memory_space<vmem>> -> memref<528xi32, #tpu.memory_space<vmem>>
        %dma_start3A_42 = tpu.memref_slice %arg4[%add3A_22] : memref<135168xi32, #tpu.memory_space<hbm>> -> memref<528xi32, #tpu.memory_space<hbm>>
        tpu.enqueue_dma source(%dma_start3A_42 : memref<528xi32, #tpu.memory_space<hbm>>) target(%dma_start3A_41 : memref<528xi32, #tpu.memory_space<vmem>>) target_semaphore(%run_scoped3A : memref<!tpu.dma_semaphore, #tpu.memory_space<semaphore_mem>>)
        %dma_wait3A = arith.constant 0 : i32
        %dma_wait3A_43 = tpu.memref_slice %arg8[%dma_wait3A] : memref<528xi32, #tpu.memory_space<vmem>> -> memref<528xi32, #tpu.memory_space<vmem>>
        %dma_wait3A_44 = tpu.memref_slice %arg4[%add3A_22] : memref<135168xi32, #tpu.memory_space<hbm>> -> memref<528xi32, #tpu.memory_space<hbm>>
        %dma_wait3A_45 = arith.constant 0 : i32
        %dma_wait3A_46 = tpu.memref_slice %arg8[%dma_wait3A_45] : memref<528xi32, #tpu.memory_space<vmem>> -> memref<528xi32, #tpu.memory_space<vmem>>
        %dma_wait3A_47 = tpu.memref_slice %arg4[%add3A_22] : memref<135168xi32, #tpu.memory_space<hbm>> -> memref<528xi32, #tpu.memory_space<hbm>>
        tpu.wait_dma2 semaphore(%run_scoped3A : memref<!tpu.dma_semaphore, #tpu.memory_space<semaphore_mem>>) src(%dma_wait3A_47 : memref<528xi32, #tpu.memory_space<hbm>>) dst(%dma_wait3A_46 : memref<528xi32, #tpu.memory_space<vmem>>)
        tpu.yield
      }) : () -> ()
      %scan3A_23 = arith.constant 0 : i32
      %scan3A_24 = arith.constant 0 : i32
      %scan3A_25 = arith.constant 33 : i32
      %scan3A_26 = arith.addi %scan3A_24, %scan3A_25 : i32
      %scan3A_27 = arith.constant 1 : i32
      %scan3A_28 = scf.for %scan3A_38 = %scan3A_24 to %scan3A_26 step %scan3A_27 iter_args(%scan3A_39 = %scan3A_23) -> (i32)  : i32 {
        %mul3A_40 = arith.constant 16 : i32
        %mul3A_41 = arith.muli %scan3A_38, %mul3A_40 : i32
        %get3A = arith.index_cast %mul3A_41 : i32 to index
        %get3A_42 = tpu.vector_load %arg8[%get3A] {strides = array<i32>} : memref<528xi32, #tpu.memory_space<vmem>>, vector<16xi32>,
        %scan3A_43 = arith.constant 0 : i32
        %scan3A_44 = arith.constant 0 : i32
        %scan3A_45 = arith.constant 16 : i32
        %scan3A_46 = arith.addi %scan3A_44, %scan3A_45 : i32
        %scan3A_47 = arith.constant 1 : i32
        %scan3A_48 = scf.for %scan3A_51 = %scan3A_44 to %scan3A_46 step %scan3A_47 iter_args(%scan3A_52 = %scan3A_43) -> (i32)  : i32 {
          %eq3A = vector.broadcast %scan3A_51 : i32 to vector<16xi32>
          %eq3A_53 = arith.cmpi eq, %iota3A, %eq3A : vector<16xi32>
          %jit3A = arith.constant 0 : i32
          %broadcast_in_dim3A = vector.broadcast %jit3A : i32 to vector<16xi32>
          %select_n3A = arith.select %eq3A_53, %get3A_42, %broadcast_in_dim3A : vector<16xi1>, vector<16xi32>
          %reduce_sum3A = arith.constant true
          %reduce_sum3A_54 = vector.broadcast %reduce_sum3A : i1 to vector<16xi1>
          %reduce_sum3A_55 = tpu.scan <sum>, %select_n3A masked %reduce_sum3A_54 : vector<16xi32>, vector<16xi1> -> vector<16xi32>
          %reduce_sum3A_56 = vector.extract %reduce_sum3A_55[15] : i32 from vector<16xi32>
          %mul3A_57 = arith.constant 16 : i32
          %mul3A_58 = arith.muli %scan3A_38, %mul3A_57 : i32
          %add3A_59 = arith.addi %mul3A_58, %scan3A_51 : i32
          %dma_start3A = arith.constant 0 : i32
          %dma_start3A_60 = tpu.memref_slice %arg9[%add3A_59, %dma_start3A] : memref<528x64xf32, #tpu.memory_space<vmem>> -> memref<1x64xf32, #tpu.memory_space<vmem>>
          %dma_start3A_61 = arith.constant 0 : i32
          %dma_start3A_62 = tpu.memref_slice %arg2[%reduce_sum3A_56, %dma_start3A_61] : memref<1000000x64xf32, #tpu.memory_space<hbm>> -> memref<1x64xf32, #tpu.memory_space<hbm>>
          %dma_start3A_63 = arith.constant 0 : i32
          %dma_start3A_64 = tpu.memref_slice %arg9[%add3A_59, %dma_start3A_63] : memref<528x64xf32, #tpu.memory_space<vmem>> -> memref<1x64xf32, #tpu.memory_space<vmem>>
          %dma_start3A_65 = arith.constant 0 : i32
          %dma_start3A_66 = tpu.memref_slice %arg2[%reduce_sum3A_56, %dma_start3A_65] : memref<1000000x64xf32, #tpu.memory_space<hbm>> -> memref<1x64xf32, #tpu.memory_space<hbm>>
          tpu.enqueue_dma source(%dma_start3A_66 : memref<1x64xf32, #tpu.memory_space<hbm>>) target(%dma_start3A_64 : memref<1x64xf32, #tpu.memory_space<vmem>>) target_semaphore(%arg10 : memref<!tpu.dma_semaphore, #tpu.memory_space<semaphore_mem>>)
          %scan3A_67 = arith.constant 0 : i32
          scf.yield %scan3A_67 : i32
        }
        %scan3A_49 = arith.constant 16 : i32
        %scan3A_50 = arith.constant 0 : i32
        scf.yield %scan3A_50 : i32
      }
      %scan3A_29 = arith.constant 33 : i32
      %scan3A_30 = arith.constant 0 : i32
      %scan3A_31 = arith.constant 0 : i32
      %scan3A_32 = arith.constant 528 : i32
      %scan3A_33 = arith.addi %scan3A_31, %scan3A_32 : i32
      %scan3A_34 = arith.constant 1 : i32
      %scan3A_35 = scf.for %scan3A_38 = %scan3A_31 to %scan3A_33 step %scan3A_34 iter_args(%scan3A_39 = %scan3A_30) -> (i32)  : i32 {
        %dma_wait3A = arith.constant 0 : i32
        %dma_wait3A_40 = tpu.memref_slice %arg9[%scan3A_38, %dma_wait3A] : memref<528x64xf32, #tpu.memory_space<vmem>> -> memref<1x64xf32, #tpu.memory_space<vmem>>
        %dma_wait3A_41 = arith.constant 0 : i32
        %dma_wait3A_42 = arith.constant 0 : i32
        %dma_wait3A_43 = tpu.memref_slice %arg2[%dma_wait3A_41, %dma_wait3A_42] : memref<1000000x64xf32, #tpu.memory_space<hbm>> -> memref<1x64xf32, #tpu.memory_space<hbm>>
        %dma_wait3A_44 = arith.constant 0 : i32
        %dma_wait3A_45 = tpu.memref_slice %arg9[%scan3A_38, %dma_wait3A_44] : memref<528x64xf32, #tpu.memory_space<vmem>> -> memref<1x64xf32, #tpu.memory_space<vmem>>
        %dma_wait3A_46 = arith.constant 0 : i32
        %dma_wait3A_47 = arith.constant 0 : i32
        %dma_wait3A_48 = tpu.memref_slice %arg2[%dma_wait3A_46, %dma_wait3A_47] : memref<1000000x64xf32, #tpu.memory_space<hbm>> -> memref<1x64xf32, #tpu.memory_space<hbm>>
        tpu.wait_dma2 semaphore(%arg10 : memref<!tpu.dma_semaphore, #tpu.memory_space<semaphore_mem>>) src(%dma_wait3A_48 : memref<1x64xf32, #tpu.memory_space<hbm>>) dst(%dma_wait3A_45 : memref<1x64xf32, #tpu.memory_space<vmem>>)
        %scan3A_49 = arith.constant 0 : i32
        scf.yield %scan3A_49 : i32
      }
      %scan3A_36 = arith.constant 528 : i32
      "tpu.region"() ({
        %run_scoped3A = tpu.sem_alloc : memref<!tpu.dma_semaphore, #tpu.memory_space<semaphore_mem>>
        %dma_start3A = arith.constant 0 : i32
        %dma_start3A_38 = arith.constant 0 : i32
        %dma_start3A_39 = tpu.memref_slice %arg9[%dma_start3A, %dma_start3A_38] : memref<528x64xf32, #tpu.memory_space<vmem>> -> memref<528x64xf32, #tpu.memory_space<vmem>>
        %dma_start3A_40 = arith.constant 0 : i32
        %dma_start3A_41 = tpu.memref_slice %arg6[%add3A_22, %dma_start3A_40] : memref<135168x64xf32, #tpu.memory_space<hbm>> -> memref<528x64xf32, #tpu.memory_space<hbm>>
        %dma_start3A_42 = arith.constant 0 : i32
        %dma_start3A_43 = tpu.memref_slice %arg6[%add3A_22, %dma_start3A_42] : memref<135168x64xf32, #tpu.memory_space<hbm>> -> memref<528x64xf32, #tpu.memory_space<hbm>>
        %dma_start3A_44 = arith.constant 0 : i32
        %dma_start3A_45 = arith.constant 0 : i32
        %dma_start3A_46 = tpu.memref_slice %arg9[%dma_start3A_44, %dma_start3A_45] : memref<528x64xf32, #tpu.memory_space<vmem>> -> memref<528x64xf32, #tpu.memory_space<vmem>>
        tpu.enqueue_dma source(%dma_start3A_46 : memref<528x64xf32, #tpu.memory_space<vmem>>) target(%dma_start3A_43 : memref<528x64xf32, #tpu.memory_space<hbm>>) target_semaphore(%run_scoped3A : memref<!tpu.dma_semaphore, #tpu.memory_space<semaphore_mem>>)
        %dma_wait3A = arith.constant 0 : i32
        %dma_wait3A_47 = arith.constant 0 : i32
        %dma_wait3A_48 = tpu.memref_slice %arg9[%dma_wait3A, %dma_wait3A_47] : memref<528x64xf32, #tpu.memory_space<vmem>> -> memref<528x64xf32, #tpu.memory_space<vmem>>
        %dma_wait3A_49 = arith.constant 0 : i32
        %dma_wait3A_50 = tpu.memref_slice %arg6[%add3A_22, %dma_wait3A_49] : memref<135168x64xf32, #tpu.memory_space<hbm>> -> memref<528x64xf32, #tpu.memory_space<hbm>>
        %dma_wait3A_51 = arith.constant 0 : i32
        %dma_wait3A_52 = tpu.memref_slice %arg6[%add3A_22, %dma_wait3A_51] : memref<135168x64xf32, #tpu.memory_space<hbm>> -> memref<528x64xf32, #tpu.memory_space<hbm>>
        %dma_wait3A_53 = arith.constant 0 : i32
        %dma_wait3A_54 = arith.constant 0 : i32
        %dma_wait3A_55 = tpu.memref_slice %arg9[%dma_wait3A_53, %dma_wait3A_54] : memref<528x64xf32, #tpu.memory_space<vmem>> -> memref<528x64xf32, #tpu.memory_space<vmem>>
        tpu.wait_dma2 semaphore(%run_scoped3A : memref<!tpu.dma_semaphore, #tpu.memory_space<semaphore_mem>>) src(%dma_wait3A_55 : memref<528x64xf32, #tpu.memory_space<vmem>>) dst(%dma_wait3A_52 : memref<528x64xf32, #tpu.memory_space<hbm>>)
        tpu.yield
      }) : () -> ()
      %scan3A_37 = arith.constant 0 : i32
      scf.yield %scan3A_37 : i32
    }
    %scan3A_10 = arith.constant 8 : i32
    %scan3A_11 = arith.constant 0 : i32
    %scan3A_12 = arith.constant 0 : i32
    %scan3A_13 = arith.constant 4 : i32
    %scan3A_14 = arith.addi %scan3A_12, %scan3A_13 : i32
    %scan3A_15 = arith.constant 1 : i32
    %scan3A_16 = scf.for %scan3A_18 = %scan3A_12 to %scan3A_14 step %scan3A_15 iter_args(%scan3A_19 = %scan3A_11) -> (i32)  : i32 {
      %mul3A_20 = arith.constant 512 : i32
      %mul3A_21 = arith.muli %scan3A_18, %mul3A_20 : i32
      %add3A_22 = arith.addi %mul3A_4, %mul3A_21 : i32
      "tpu.region"() ({
        %run_scoped3A = tpu.sem_alloc : memref<!tpu.dma_semaphore, #tpu.memory_space<semaphore_mem>>
        %dma_start3A = arith.constant 0 : i32
        %dma_start3A_38 = tpu.memref_slice %arg8[%dma_start3A] : memref<528xi32, #tpu.memory_space<vmem>> -> memref<512xi32, #tpu.memory_space<vmem>>
        %dma_start3A_39 = tpu.memref_slice %arg5[%add3A_22] : memref<65536xi32, #tpu.memory_space<hbm>> -> memref<512xi32, #tpu.memory_space<hbm>>
        %dma_start3A_40 = arith.constant 0 : i32
        %dma_start3A_41 = tpu.memref_slice %arg8[%dma_start3A_40] : memref<528xi32, #tpu.memory_space<vmem>> -> memref<512xi32, #tpu.memory_space<vmem>>
        %dma_start3A_42 = tpu.memref_slice %arg5[%add3A_22] : memref<65536xi32, #tpu.memory_space<hbm>> -> memref<512xi32, #tpu.memory_space<hbm>>
        tpu.enqueue_dma source(%dma_start3A_42 : memref<512xi32, #tpu.memory_space<hbm>>) target(%dma_start3A_41 : memref<512xi32, #tpu.memory_space<vmem>>) target_semaphore(%run_scoped3A : memref<!tpu.dma_semaphore, #tpu.memory_space<semaphore_mem>>)
        %dma_wait3A = arith.constant 0 : i32
        %dma_wait3A_43 = tpu.memref_slice %arg8[%dma_wait3A] : memref<528xi32, #tpu.memory_space<vmem>> -> memref<512xi32, #tpu.memory_space<vmem>>
        %dma_wait3A_44 = tpu.memref_slice %arg5[%add3A_22] : memref<65536xi32, #tpu.memory_space<hbm>> -> memref<512xi32, #tpu.memory_space<hbm>>
        %dma_wait3A_45 = arith.constant 0 : i32
        %dma_wait3A_46 = tpu.memref_slice %arg8[%dma_wait3A_45] : memref<528xi32, #tpu.memory_space<vmem>> -> memref<512xi32, #tpu.memory_space<vmem>>
        %dma_wait3A_47 = tpu.memref_slice %arg5[%add3A_22] : memref<65536xi32, #tpu.memory_space<hbm>> -> memref<512xi32, #tpu.memory_space<hbm>>
        tpu.wait_dma2 semaphore(%run_scoped3A : memref<!tpu.dma_semaphore, #tpu.memory_space<semaphore_mem>>) src(%dma_wait3A_47 : memref<512xi32, #tpu.memory_space<hbm>>) dst(%dma_wait3A_46 : memref<512xi32, #tpu.memory_space<vmem>>)
        tpu.yield
      }) : () -> ()
      %scan3A_23 = arith.constant 0 : i32
      %scan3A_24 = arith.constant 0 : i32
      %scan3A_25 = arith.constant 32 : i32
      %scan3A_26 = arith.addi %scan3A_24, %scan3A_25 : i32
      %scan3A_27 = arith.constant 1 : i32
      %scan3A_28 = scf.for %scan3A_38 = %scan3A_24 to %scan3A_26 step %scan3A_27 iter_args(%scan3A_39 = %scan3A_23) -> (i32)  : i32 {
        %mul3A_40 = arith.constant 16 : i32
        %mul3A_41 = arith.muli %scan3A_38, %mul3A_40 : i32
        %get3A = arith.index_cast %mul3A_41 : i32 to index
        %get3A_42 = tpu.vector_load %arg8[%get3A] {strides = array<i32>} : memref<528xi32, #tpu.memory_space<vmem>>, vector<16xi32>,
        %scan3A_43 = arith.constant 0 : i32
        %scan3A_44 = arith.constant 0 : i32
        %scan3A_45 = arith.constant 16 : i32
        %scan3A_46 = arith.addi %scan3A_44, %scan3A_45 : i32
        %scan3A_47 = arith.constant 1 : i32
        %scan3A_48 = scf.for %scan3A_51 = %scan3A_44 to %scan3A_46 step %scan3A_47 iter_args(%scan3A_52 = %scan3A_43) -> (i32)  : i32 {
          %eq3A = vector.broadcast %scan3A_51 : i32 to vector<16xi32>
          %eq3A_53 = arith.cmpi eq, %iota3A, %eq3A : vector<16xi32>
          %jit3A = arith.constant 0 : i32
          %broadcast_in_dim3A = vector.broadcast %jit3A : i32 to vector<16xi32>
          %select_n3A = arith.select %eq3A_53, %get3A_42, %broadcast_in_dim3A : vector<16xi1>, vector<16xi32>
          %reduce_sum3A = arith.constant true
          %reduce_sum3A_54 = vector.broadcast %reduce_sum3A : i1 to vector<16xi1>
          %reduce_sum3A_55 = tpu.scan <sum>, %select_n3A masked %reduce_sum3A_54 : vector<16xi32>, vector<16xi1> -> vector<16xi32>
          %reduce_sum3A_56 = vector.extract %reduce_sum3A_55[15] : i32 from vector<16xi32>
          %mul3A_57 = arith.constant 16 : i32
          %mul3A_58 = arith.muli %scan3A_38, %mul3A_57 : i32
          %add3A_59 = arith.addi %mul3A_58, %scan3A_51 : i32
          %dma_start3A = arith.constant 0 : i32
          %dma_start3A_60 = tpu.memref_slice %arg9[%add3A_59, %dma_start3A] : memref<528x64xf32, #tpu.memory_space<vmem>> -> memref<1x64xf32, #tpu.memory_space<vmem>>
          %dma_start3A_61 = arith.constant 0 : i32
          %dma_start3A_62 = tpu.memref_slice %arg3[%reduce_sum3A_56, %dma_start3A_61] : memref<1000x64xf32, #tpu.memory_space<hbm>> -> memref<1x64xf32, #tpu.memory_space<hbm>>
          %dma_start3A_63 = arith.constant 0 : i32
          %dma_start3A_64 = tpu.memref_slice %arg9[%add3A_59, %dma_start3A_63] : memref<528x64xf32, #tpu.memory_space<vmem>> -> memref<1x64xf32, #tpu.memory_space<vmem>>
          %dma_start3A_65 = arith.constant 0 : i32
          %dma_start3A_66 = tpu.memref_slice %arg3[%reduce_sum3A_56, %dma_start3A_65] : memref<1000x64xf32, #tpu.memory_space<hbm>> -> memref<1x64xf32, #tpu.memory_space<hbm>>
          tpu.enqueue_dma source(%dma_start3A_66 : memref<1x64xf32, #tpu.memory_space<hbm>>) target(%dma_start3A_64 : memref<1x64xf32, #tpu.memory_space<vmem>>) target_semaphore(%arg10 : memref<!tpu.dma_semaphore, #tpu.memory_space<semaphore_mem>>)
          %scan3A_67 = arith.constant 0 : i32
          scf.yield %scan3A_67 : i32
        }
        %scan3A_49 = arith.constant 16 : i32
        %scan3A_50 = arith.constant 0 : i32
        scf.yield %scan3A_50 : i32
      }
      %scan3A_29 = arith.constant 32 : i32
      %scan3A_30 = arith.constant 0 : i32
      %scan3A_31 = arith.constant 0 : i32
      %scan3A_32 = arith.constant 512 : i32
      %scan3A_33 = arith.addi %scan3A_31, %scan3A_32 : i32
      %scan3A_34 = arith.constant 1 : i32
      %scan3A_35 = scf.for %scan3A_38 = %scan3A_31 to %scan3A_33 step %scan3A_34 iter_args(%scan3A_39 = %scan3A_30) -> (i32)  : i32 {
        %dma_wait3A = arith.constant 0 : i32
        %dma_wait3A_40 = tpu.memref_slice %arg9[%scan3A_38, %dma_wait3A] : memref<528x64xf32, #tpu.memory_space<vmem>> -> memref<1x64xf32, #tpu.memory_space<vmem>>
        %dma_wait3A_41 = arith.constant 0 : i32
        %dma_wait3A_42 = arith.constant 0 : i32
        %dma_wait3A_43 = tpu.memref_slice %arg3[%dma_wait3A_41, %dma_wait3A_42] : memref<1000x64xf32, #tpu.memory_space<hbm>> -> memref<1x64xf32, #tpu.memory_space<hbm>>
        %dma_wait3A_44 = arith.constant 0 : i32
        %dma_wait3A_45 = tpu.memref_slice %arg9[%scan3A_38, %dma_wait3A_44] : memref<528x64xf32, #tpu.memory_space<vmem>> -> memref<1x64xf32, #tpu.memory_space<vmem>>
        %dma_wait3A_46 = arith.constant 0 : i32
        %dma_wait3A_47 = arith.constant 0 : i32
        %dma_wait3A_48 = tpu.memref_slice %arg3[%dma_wait3A_46, %dma_wait3A_47] : memref<1000x64xf32, #tpu.memory_space<hbm>> -> memref<1x64xf32, #tpu.memory_space<hbm>>
        tpu.wait_dma2 semaphore(%arg10 : memref<!tpu.dma_semaphore, #tpu.memory_space<semaphore_mem>>) src(%dma_wait3A_48 : memref<1x64xf32, #tpu.memory_space<hbm>>) dst(%dma_wait3A_45 : memref<1x64xf32, #tpu.memory_space<vmem>>)
        %scan3A_49 = arith.constant 0 : i32
        scf.yield %scan3A_49 : i32
      }
      %scan3A_36 = arith.constant 512 : i32
      "tpu.region"() ({
        %run_scoped3A = tpu.sem_alloc : memref<!tpu.dma_semaphore, #tpu.memory_space<semaphore_mem>>
        %dma_start3A = arith.constant 0 : i32
        %dma_start3A_38 = arith.constant 0 : i32
        %dma_start3A_39 = tpu.memref_slice %arg9[%dma_start3A, %dma_start3A_38] : memref<528x64xf32, #tpu.memory_space<vmem>> -> memref<512x64xf32, #tpu.memory_space<vmem>>
        %dma_start3A_40 = arith.constant 0 : i32
        %dma_start3A_41 = tpu.memref_slice %arg7[%add3A_22, %dma_start3A_40] : memref<65536x64xf32, #tpu.memory_space<hbm>> -> memref<512x64xf32, #tpu.memory_space<hbm>>
        %dma_start3A_42 = arith.constant 0 : i32
        %dma_start3A_43 = tpu.memref_slice %arg7[%add3A_22, %dma_start3A_42] : memref<65536x64xf32, #tpu.memory_space<hbm>> -> memref<512x64xf32, #tpu.memory_space<hbm>>
        %dma_start3A_44 = arith.constant 0 : i32
        %dma_start3A_45 = arith.constant 0 : i32
        %dma_start3A_46 = tpu.memref_slice %arg9[%dma_start3A_44, %dma_start3A_45] : memref<528x64xf32, #tpu.memory_space<vmem>> -> memref<512x64xf32, #tpu.memory_space<vmem>>
        tpu.enqueue_dma source(%dma_start3A_46 : memref<512x64xf32, #tpu.memory_space<vmem>>) target(%dma_start3A_43 : memref<512x64xf32, #tpu.memory_space<hbm>>) target_semaphore(%run_scoped3A : memref<!tpu.dma_semaphore, #tpu.memory_space<semaphore_mem>>)
        %dma_wait3A = arith.constant 0 : i32
        %dma_wait3A_47 = arith.constant 0 : i32
        %dma_wait3A_48 = tpu.memref_slice %arg9[%dma_wait3A, %dma_wait3A_47] : memref<528x64xf32, #tpu.memory_space<vmem>> -> memref<512x64xf32, #tpu.memory_space<vmem>>
        %dma_wait3A_49 = arith.constant 0 : i32
        %dma_wait3A_50 = tpu.memref_slice %arg7[%add3A_22, %dma_wait3A_49] : memref<65536x64xf32, #tpu.memory_space<hbm>> -> memref<512x64xf32, #tpu.memory_space<hbm>>
        %dma_wait3A_51 = arith.constant 0 : i32
        %dma_wait3A_52 = tpu.memref_slice %arg7[%add3A_22, %dma_wait3A_51] : memref<65536x64xf32, #tpu.memory_space<hbm>> -> memref<512x64xf32, #tpu.memory_space<hbm>>
        %dma_wait3A_53 = arith.constant 0 : i32
        %dma_wait3A_54 = arith.constant 0 : i32
        %dma_wait3A_55 = tpu.memref_slice %arg9[%dma_wait3A_53, %dma_wait3A_54] : memref<528x64xf32, #tpu.memory_space<vmem>> -> memref<512x64xf32, #tpu.memory_space<vmem>>
        tpu.wait_dma2 semaphore(%run_scoped3A : memref<!tpu.dma_semaphore, #tpu.memory_space<semaphore_mem>>) src(%dma_wait3A_55 : memref<512x64xf32, #tpu.memory_space<vmem>>) dst(%dma_wait3A_52 : memref<512x64xf32, #tpu.memory_space<hbm>>)
        tpu.yield
      }) : () -> ()
      %scan3A_37 = arith.constant 0 : i32
      scf.yield %scan3A_37 : i32
    }
    %scan3A_17 = arith.constant 4 : i32
    return
  }
}

</mosaic_0001>

<sc_bundles>
// kernel: kernel.3.cloned.1.call-start
scs
__scs_entry_jumppad:
0x0: {  	(pc) =	sbr.rel $0x88, $3  }
0x1: {  	(tag) =	ssettag $0x0;
	lr =	simm.s32 $0x1  }
0x2: {  	[smem:$0x3F99] =	sst lr;
	_ =	strace $0xD0000000  }
0x3: {  	_ = 	snop  }
0x4: {  	_ = 	snop  }
0x5: {  	_ = 	snop  }
0x6: {  	_ = 	snop  }
0x7: {  	_ = 	snop  }
__scs_overlays_trampoline_lowered:
0x8: {  	[smem:$0x3FA8] =	sst s0  }
0x9: {  	[smem:$0x3FA9] =	sst s1  }
0xa: {  	[smem:$0x3FAA] =	sst s2  }
0xb: {  	[smem:$0x3FAB] =	sst s3  }
0xc: {  	[smem:$0x3FAC] =	sst s4  }
0xd: {  	[smem:$0x3FAD] =	sst s5  }
0xe: {  	[smem:$0x3FAE] =	sst s6  }
0xf: {  	[smem:$0x3FAF] =	sst s7  }
0x10: {  	[smem:$0x3FB0] =	sst s8  }
0x11: {  	[smem:$0x3FB1] =	sst s9;
	s0 =	simm.s32 @!p0 $0x0  }
0x12: {  	s1 =	sld [smem:$0x3F97];
	s0 =	simm.s32 @p0 $0x1  }
0x13: {  	[smem:$0x3FB2] =	sst s0;
	s0 =	simm.s32 @!p1 $0x0  }
0x14: {  	s2 =	sld [smem:$0x3F96];
	s0 =	simm.s32 @p1 $0x1  }
0x15: {  	[smem:$0x3FB3] =	sst s0;
	s0 =	simm.s32 @!p2 $0x0  }
0x16: {  	s3 =	sld [smem:$0x3FDB];
	s0 =	simm.s32 @p2 $0x1  }
0x17: {  	s4 =	simm.s32 $0x1BF5;
	[smem:$0x3FB5] =	sst s0  }
0x18: {  	s0 =	sld [smem:$0x3F98];
	_ =	swait.ge [sflag:s4], $0x0  }
0x19: {  	s7 =	sld [smem:$0x3F99]  }
0x1a: {  	s8 =	sadd.s32 $0xFFFFE003, lr  }
0x1b: {  	s9 =	sadd.s32 $0xFFFFFEF7, lr;
	s5 =	simm.s32 $0xFFFFFFFF;
	p2 =	slt.u32 s8, $0xFFFFF086  }
0x1c: {  	p1 =	slt.u32 s9, $0xF7A;
	s5 =	simm.s32 @!p2 $0x0  }
0x1d: {  	s5 =	simm.s32 @p1 $0x1;
	p0 =	seq.s32 s7, s2  }
0x1e: {  	s7 =	smul.u32 @!p0 $0xF7A, s2;
	p2 =	seq.s32 @!p0 s5, $0x0  }
0x1f: {  	s9 =	smul.u32 $0xF7A, s1;
	s8 =	simm.s32 @!p0 $0x1BF5;
	p2 =	por !p2, p0  }
0x20: {  	[sflag:s8] =	ssyncset.s32 @!p0 $0xFFFFF086;
	s6 =	sadd.s32 @!p0 s3, s7;
	s7 =	simm.s32 @!p0 $0x108  }
0x21: {  	s3 =	sadd.s32 s3, s9;
	s6 =	sadd.s32 @!p0 $0x88, s6;
	s7 =	simm.s32 @p2 $0x1082  }
0x22: {  	[simem:s7], [sflag:s8] =	dma.local @!p0 [hbm:s6], $0xF7A  }
0x23: {  	s9 =	sor.u32 $0xD0000000, s2;
	s6 =	simm.s32 $0x108;
	_ =	swait.ge @!p0 [sflag:s8], $0x0  }
0x24: {  	s3 =	sadd.s32 $0x88, s3;
	s6 =	simm.s32 @!p1 $0x1082;
	[sflag:s4] =	ssyncset.s32 $0xFFFFF086  }
0x25: {  	[simem:s6], [sflag:s4] =	dma.local [hbm:s3], $0xF7A  }
0x26: {  	[smem:$0x3F99] =	sst s1;
	(tag) =	ssettag s2;
	_ =	strace s9  }
0x27: {  	s1 =	sld [smem:$0x3FA9]  }
0x28: {  	s2 =	sld [smem:$0x3FAA]  }
0x29: {  	s4 =	sld [smem:$0x3FAC]  }
0x2a: {  	p0 =	seq.s32 s5, $0x0;
	s5 =	sld [smem:$0x3FAD]  }
0x2b: {  	s6 =	sld [smem:$0x3FAE]  }
0x2c: {  	s7 =	sld [smem:$0x3FAF]  }
0x2d: {  	s3 =	simm.s32 $0x108;
	s8 =	sld [smem:$0x3FB0]  }
0x2e: {  	s3 =	simm.s32 @!p0 $0x1082;
	s9 =	sld [smem:$0x3FB1]  }
0x2f: {  	lr =	sadd.s32 s0, s3;
	s0 =	sld [smem:$0x3FA8]  }
0x30: {  	s3 =	sld [smem:$0x3FAB]  }
0x31: {  	[smem:$0x3FB4] =	sst s10  }
0x32: {  	s10 =	sld [smem:$0x3FB2];
	_ =	sdelay $0x3  }
0x33: {  	p0 =	seq.s32 s10, $0x1;
	s10 =	sld [smem:$0x3FB4];
	_ =	sdelay $0x3  }
0x34: {  	[smem:$0x3FB4] =	sst s10  }
0x35: {  	s10 =	sld [smem:$0x3FB3];
	_ =	sdelay $0x3  }
0x36: {  	p1 =	seq.s32 s10, $0x1;
	s10 =	sld [smem:$0x3FB4];
	_ =	sdelay $0x3  }
0x37: {  	[smem:$0x3FB4] =	sst s10  }
0x38: {  	s10 =	sld [smem:$0x3FB5]  }
0x39: {  	_ = 	snop;
	(pc) =	sbr.ind lr, $3  }
0x3a: {  	_ = 	snop  }
0x3b: {  	_ = 	snop  }
0x3c: {  	p2 =	seq.s32 s10, $0x1;
	s10 =	sld [smem:$0x3FB4]  }
0x3d: {  	_ =	shalt  }
0x3e: {  	_ =	shalt  }
0x3f: {  	_ =	shalt  }
0x40: {  	_ =	shalt  }
0x41: {  	_ =	shalt  }
0x42: {  	_ =	shalt  }
0x43: {  	_ =	shalt  }
0x44: {  	_ =	shalt  }
0x45: {  	_ =	shalt  }
0x46: {  	_ =	shalt  }
0x47: {  	_ =	shalt  }
0x48: {  	_ =	shalt  }
0x49: {  	_ =	shalt  }
0x4a: {  	_ =	shalt  }
0x4b: {  	_ =	shalt  }
0x4c: {  	_ =	shalt  }
0x4d: {  	_ =	shalt  }
0x4e: {  	_ =	shalt  }
0x4f: {  	_ =	shalt  }
0x50: {  	_ =	shalt  }
0x51: {  	_ =	shalt  }
0x52: {  	_ =	shalt  }
0x53: {  	_ =	shalt  }
0x54: {  	_ =	shalt  }
0x55: {  	_ =	shalt  }
0x56: {  	_ =	shalt  }
0x57: {  	_ =	shalt  }
0x58: {  	_ =	shalt  }
0x59: {  	_ =	shalt  }
0x5a: {  	_ =	shalt  }
0x5b: {  	_ =	shalt  }
0x5c: {  	_ =	shalt  }
0x5d: {  	_ =	shalt  }
0x5e: {  	_ =	shalt  }
0x5f: {  	_ =	shalt  }
0x60: {  	_ =	shalt  }
0x61: {  	_ =	shalt  }
0x62: {  	_ =	shalt  }
0x63: {  	_ =	shalt  }
0x64: {  	_ =	shalt  }
0x65: {  	_ =	shalt  }
0x66: {  	_ =	shalt  }
0x67: {  	_ =	shalt  }
0x68: {  	_ =	shalt  }
0x69: {  	_ =	shalt  }
0x6a: {  	_ =	shalt  }
0x6b: {  	_ =	shalt  }
0x6c: {  	_ =	shalt  }
0x6d: {  	_ =	shalt  }
0x6e: {  	_ =	shalt  }
0x6f: {  	_ =	shalt  }
0x70: {  	_ =	shalt  }
0x71: {  	_ =	shalt  }
0x72: {  	_ =	shalt  }
0x73: {  	_ =	shalt  }
0x74: {  	_ =	shalt  }
0x75: {  	_ =	shalt  }
0x76: {  	_ =	shalt  }
0x77: {  	_ =	shalt  }
0x78: {  	_ =	shalt  }
0x79: {  	_ =	shalt  }
0x7a: {  	_ =	shalt  }
0x7b: {  	_ =	shalt  }
0x7c: {  	_ =	shalt  }
0x7d: {  	_ =	shalt  }
0x7e: {  	_ =	shalt  }
0x7f: {  	_ =	shalt  }
0x80: {  	_ =	shalt  }
0x81: {  	_ =	shalt  }
0x82: {  	_ =	shalt  }
0x83: {  	_ =	shalt  }
0x84: {  	_ =	shalt  }
0x85: {  	_ =	shalt  }
0x86: {  	_ =	shalt  }
0x87: {  	_ =	shalt  }
.Lfunc_end0:
.L_simem_size_0:
called_computation_lowered:
.L_overlay_start_0:
0x88: {  	s2 =	sld [smem:$0x3FD9]  }
0x89: {  	s3 =	sld [smem:$0x3FFE];
	_ =	sdelay $0x1  }
0x8a: {  	s1 =	srdreg.scid  }
0x8b: {  	s0 =	sand.u32 $0x1, s1  }
0x8c: {  	s16 =	sshll.u32 s0, $0xA;
	s2 =	sadd.s32 s3, s2  }
0x8d: {  	s2 =	sadd.s32 s2, s16  }
0x8e: {  	[smem:$0x3FC0] =	sst s2  }
0x8f: {  	_ = 	snop  }
0x90: {  	(tm) =	ssettm $0x1  }
0x91: {  	s17 =	sld [smem:$0x3FFB];
	_ =	sdelay $0x3  }
0x92: {  	_ =	strace s17  }
0x93: {  	s2 =	sld [smem:$0x3FFC];
	_ =	sdelay $0x3  }
0x94: {  	_ =	strace s2  }
0x95: {  	s2 =	sld [smem:$0x3FFD];
	_ =	sdelay $0x3  }
0x96: {  	_ =	strace s2  }
0x97: {  	_ =	strace $0x8FFFFFFF  }
0x98: {  	s18 =	sld [smem:$0x3FDB];
	_ =	sdelay $0x1  }
0x99: {  	s19 =	simm.s32 $_scs_section_size  }
0x9a: {  	s4 =	simm.s32 $_size__tile_overlayer_lowered;
	s5 =	simm.s32 $_tile_overlayer_lowered  }
0x9b: {  	s22 =	simm.s32 $0x1BFF;
	s21 =	sshll.u32 s5, $0x1;
	s2 =	sadd.s32 s19, s18  }
0x9c: {  	s6 =	simm.s32 $0x0;
	s20 =	sshll.u32 s4, $0x1;
	s4 =	sadd.s32 s21, s2  }
0x9d: {  	[timem:s6], [sflag:s22] =	dma.local [hbm:s4], s20  }
0x9e: {  	_ =	swait.ge [sflag:s22], s20  }
0x9f: {  	s3 =	ssub.s32 $0x0, s20;
	[sflag:s22] =	ssyncset.done $0x0  }
0xa0: {  	[sflag:s22] =	ssyncadd.s32 s3;
	_ =	sdelay $0x1  }
0xa1: {  	s23 =	simm.s32 $0x1B8B  }
0xa2: {  	_ =	swait.ge [sflag:s23], $0x1  }
0xa3: {  	[sflag:s23] =	ssyncset.done $0x0  }
0xa4: {  	s25 =	simm.s32 $0x1B8E;
	s24 =	sld [smem:$0x3FFE];
	[sflag:s23] =	ssyncadd.s32 $0xFFFFFFFF  }
0xa5: {  	s26 =	simm.s32 $execute0_lowered;
	[smem:$0x3FD2] =	sst s25  }
0xa6: {  	s4 =	sshll.u32 s26, $0x1;
	_ =	strace $0x80000046;
	[dreg:$0x1] =	wrdreg $0xFFFFFFFF  }
0xa7: {  	s28 =	simm.s32 $_size_execute0_lowered;
	s2 =	sadd.s32 s2, s4;
	[dreg:$0x0] =	wrdreg $0x0  }
0xa8: {  	s4 =	sshll.u32 s28, $0x1;
	[dreg:$0x2] =	wrdreg s2  }
0xa9: {  	[dreg:$0x3] =	wrdreg s4  }
0xaa: {  	[dreg:$0x4] =	wrdreg $0xC0  }
0xab: {  	_ =	task [dreg:s6], $0x5FFFF  }
0xac: {  	[dreg:$0x1] =	wrdreg $0xFFFFFFFF  }
0xad: {  	[dreg:$0x0] =	wrdreg $0x60  }
0xae: {  	[dreg:$0x2] =	wrdreg s24  }
0xaf: {  	[dreg:$0x3] =	wrdreg $0x9  }
0xb0: {  	_ =	task.clear_ibuf [dreg:s6], $0x4FFFF;
	_ =	strace $0x90000046  }
0xb1: {  	s29 =	simm.s32 $0x9;
	_ =	strace $0x80000048  }
0xb2: {  	_ =	swait.ge [sflag:s29], $0x1  }
0xb3: {  	[sflag:s29] =	ssyncadd.s32 $0xFFFFFFFF  }
0xb4: {  	_ =	strace $0x90000048  }
0xb5: {  	_ =	sfence  }
0xb6: {  	s30 =	sld [smem:$0x0];
	_ =	sdelay $0x2  }
0xb7: {  	s31 =	sshll.u32 s1, $0xD;
	s1 =	sshrl.u32 s1, $0x2  }
0xb8: {  	s3 =	sand.u32 $0x4000, s31;
	s1 =	sadd.s32 s1, s30  }
0xb9: {  	s0 =	sor.u32 s3, s0;
	s1 =	sshll.u32 s1, $0x11  }
0xba: {  	s0 =	sor.u32 s1, s0  }
0xbb: {  	s0 =	sadd.s32 $0x8F2B, s0  }
0xbc: {  	[sflag:s0] =	ssyncadd.remote.s32 $0x1  }
0xbd: {  	_ =	sfence.sel $0xFFFF  }
0xbe: {  	[dreg:$0x0] =	wrdreg $0xFFFFFFFF;
	(pc) =	sbr.abs _section_cstart, $3  }
0xbf: {  	[dreg:$0x1] =	wrdreg $0xFFFFFFFF  }
0xc0: {  	_ =	task.clear_ibuf [dreg:s6], $0x2FFFF;
	_ =	strace $0x9FFFFFFF  }
0xc1: {  	(tm) =	ssettm $0x7FFFFFFF  }
tec
execute0_lowered:
.L_overlay_start_1:
0x0: {  	(tag) =	ssettag $0x1  }
0x1: {  	s8 =	rddreg [dreg:$0x0]  }
0x2: {  	s0 =	rddreg [dreg:$0x1]  }
0x3: {  	s1 =	simm.s32 $0x0;
	s6 =	srdreg.scid;
	s2 =	stileid.u32  }
0x4: {  	s13 =	simm.s32 $0x1;
	s14 =	simm.s32 $0x280;
	s15 =	simm.s32 $0x0  }
0x5: {  	[smem:$0x7FF] =	sst s1;
	s3 =	sadd.s32 $0x1600, s8;
	s4 =	sadd.s32 $0xF49C00, s8  }
0x6: {  	s5 =	sadd.s32 $0xF43A00, s8;
	s9 =	sand.u32 $0x1, s6;
	s6 =	sadd.s32 $0xF47C00, s8  }
0x7: {  	s11 =	sshll.u32 s2, $0x1;
	s7 =	sadd.s32 $0xF4DC00, s8;
	s10 =	ssub.s32 $0x2, s9  }
0x8: {  	s8 =	sadd.s32 $0x115DC00, s8;
	s11 =	sor.u32 s9, s11;
	s12 =	sshrl.u32 s10, $0x1  }
0x9: {  	_ =	strace $0x80000047;
	s9 =	smul.u32 $0x1080, s11;
	s12 =	ssub.s32 s10, s12  }
0xa: {  	v0 =	vlaneseq.u32;
	s10 =	sshll.u32 s11, $0xB;
	s11 =	smax.u32 s12, $0x1;
	s12 =	simm.s32 $0x2  }
.LBB2_1:
0xb: {  	s17 =	simm.s32 $0x0  }
.LBB2_2:
0xc: {  	s16 =	smul.u32 $0x210, s17;
	_ =	sdelay $0x1  }
0xd: {  	s16 =	sadd.s32 s9, s16  }
0xe: {  	s18 =	sshrl.u32 s16, $0x3  }
0xf: {  	s19 =	sadd.s32 s5, s18;
	s18 =	simm.s32 $0x0  }
0x10: {  	[tilespmem:s18], [sflag:$0x2] =	stream.linear.gather [hbm4b:s19+s18], $0x210, $0x38;
	[tilespmem:$0x10A80] =	vst v63  }
0x11: {  	_ =	swait.ge [sflag:s12], $0x210  }
0x12: {  	[sflag:s12] =	ssyncset.done $0x0  }
0x13: {  	s20 =	simm.s32 $0x0;
	s19 =	simm.s32 $0x280;
	[sflag:s12] =	ssyncadd.s32 $0xFFFFFDF0  }
.LBB2_3:
0x14: {  	s21 =	sshll.u32 s20, $0x4  }
0x15: {  	v1 =	vld [tilespmem:s21+$0x0];
	_ =	sdelay $0x2  }
0x16: {  	v2 =	vmov s18  }
0x17: {  	vm0 =	veq.s32 v2, v0  }
0x18: {  	v2 =	vnsel vm0, $0x0, v1  }
0x19: {  	(xrf0) =	vadd.scan.msk.s32 $0xffff, v2;
	_ =	sdelay $0x5  }
0x1a: {  	v2, _, _ =	vpop (xrf0)  }
0x1b: {  	(v2sf) =	vpush v2, $0xF  }
0x1c: {  	s28 =	simm.s32 $0x1  }
0x1d: {  	v2 =	vmov s28  }
0x1e: {  	vm12 =	veq.s32 v2, v0  }
0x1f: {  	s29 =	simm.s32 $0x2;
	v3 =	vnsel vm12, $0x0, v1  }
0x20: {  	s30 =	simm.s32 $0x3;
	v2 =	vmov s29;
	(xrf0) =	vadd.scan.msk.s32 $0xffff, v3  }
0x21: {  	vm13 =	veq.s32 v2, v0;
	v2 =	vmov s30  }
0x22: {  	v3 =	vnsel vm13, $0x0, v1;
	vm14 =	veq.s32 v2, v0  }
0x23: {  	(xrf0) =	vadd.scan.msk.s32 $0xffff, v3;
	v2 =	vnsel vm14, $0x0, v1  }
0x24: {  	(xrf0) =	vadd.scan.msk.s32 $0xffff, v2;
	_ =	sdelay $0x1  }
0x25: {  	s22 =	simm.s32 $0x4;
	v2, _, _ =	vpop (xrf0)  }
0x26: {  	v3 =	vmov s22;
	(v2sf) =	vpush v2, $0xF;
	_ =	sdelay $0x1  }
0x27: {  	v2, _, _ =	vpop (xrf0)  }
0x28: {  	vm15 =	veq.s32 v3, v0;
	v3, _, _ =	vpop (xrf0);
	s31 =	spop (v2sf);
	(v2sf) =	vpush v2, $0xF  }
0x29: {  	(v2sf) =	vpush v3, $0xF;
	_ =	sdelay $0x4  }
0x2a: {  	s21 =	sshll.u32 s31, $0x4  }
0x2b: {  	v2 =	vnsel vm15, $0x0, v1;
	s21 =	sand.u32 $0x1FFFFFF0, s21  }
0x2c: {  	(xrf0) =	vadd.scan.msk.s32 $0xffff, v2;
	s21 =	sadd.s32 s3, s21  }
0x2d: {  	[tilespmem:s19], [sflag:$0x1] =	stream.linear.gather [hbm4b:s21+s1], $0x80, $0x38;
	[tilespmem:$0x10A80] =	vst v63  }
0x2e: {  	s22 =	simm.s32 $0x5;
	s21 =	smov.u32 s19  }
.LBB2_4:
0x2f: {  	v2 =	vmov s22;
	p0 =	sne.s32 s22, $0xF;
	s22 =	sadd.s32 $0x1, s22  }
.Ltmp0:
0x30: {  	vm0 =	veq.s32 v2, v0;
	s23 =	spop (v2sf);
	(pc) =	sbr.rel @p0 .LBB2_4-.Ltmp0, $4  }
0x31: {  	v3 =	vnsel vm0, $0x0, v1;
	s23 =	sshll.u32 s23, $0x4  }
0x32: {  	(xrf0) =	vadd.scan.msk.s32 $0xffff, v3;
	v2, _, _ =	vpop (xrf0);
	s23 =	sand.u32 $0x1FFFFFF0, s23  }
0x33: {  	s21 =	sadd.s32 $0x80, s21;
	(v2sf) =	vpush v2, $0xF;
	s23 =	sadd.s32 s3, s23  }
0x34: {  	[tilespmem:s21], [sflag:$0x1] =	stream.linear.gather [hbm4b:s23+s1], $0x80, $0x38;
	[tilespmem:$0x10A80] =	vst v63  }
0x35: {  	_ =	sdelay $0x2  }
0x36: {  	v1, _, _ =	vpop (xrf0)  }
0x37: {  	s22 =	spop (v2sf);
	(v2sf) =	vpush v1, $0xF;
	_ =	sdelay $0x1  }
0x38: {  	s22 =	sshll.u32 s22, $0x4  }
0x39: {  	s22 =	sand.u32 $0x1FFFFFF0, s22  }
0x3a: {  	s21 =	sadd.s32 $0x80, s21;
	s29 =	spop (v2sf);
	s22 =	sadd.s32 s3, s22  }
0x3b: {  	[tilespmem:s21], [sflag:$0x1] =	stream.linear.gather [hbm4b:s22+s1], $0x80, $0x38;
	[tilespmem:$0x10A80] =	vst v63  }
0x3c: {  	s22 =	sshll.u32 s29, $0x4  }
0x3d: {  	s22 =	sand.u32 $0x1FFFFFF0, s22  }
0x3e: {  	s21 =	sadd.s32 $0x80, s21;
	s22 =	sadd.s32 s3, s22  }
0x3f: {  	[tilespmem:s21], [sflag:$0x1] =	stream.linear.gather [hbm4b:s22+s1], $0x80, $0x38;
	[tilespmem:$0x10A80] =	vst v63  }
0x40: {  	s30 =	spop (v2sf)  }
0x41: {  	s22 =	sshll.u32 s30, $0x4  }
0x42: {  	s20 =	sadd.s32 $0x1, s20;
	s22 =	sand.u32 $0x1FFFFFF0, s22  }
0x43: {  	p0 =	sne.s32 s20, $0x21;
	s21 =	sadd.s32 $0x80, s21;
	s22 =	sadd.s32 s3, s22  }
0x44: {  	[tilespmem:s21], [sflag:$0x1] =	stream.linear.gather [hbm4b:s22+s1], $0x80, $0x38;
	[tilespmem:$0x10A80] =	vst v63  }
.Ltmp1:
0x45: {  	s31 =	spop (v2sf);
	(pc) =	sbr.rel @p0 .LBB2_3-.Ltmp1, $4  }
0x46: {  	s22 =	sshll.u32 s31, $0x4  }
0x47: {  	s22 =	sand.u32 $0x1FFFFFF0, s22  }
0x48: {  	s19 =	sadd.s32 $0x800, s19;
	s21 =	sadd.s32 $0x80, s21;
	s22 =	sadd.s32 s3, s22  }
0x49: {  	[tilespmem:s21], [sflag:$0x1] =	stream.linear.gather [hbm4b:s22+s1], $0x80, $0x38;
	[tilespmem:$0x10A80] =	vst v63  }
0x4a: {  	_ =	swait.ge [sflag:s13], $0x80  }
0x4b: {  	s18 =	simm.s32 $0x20F;
	[sflag:s13] =	ssyncset.done $0x0  }
.LBB2_7:
0x4c: {  	p0 =	sne.s32 s18, $0x1;
	s18 =	sadd.s32 $0xFFFFFFFF, s18;
	[sflag:s13] =	ssyncadd.s32 $0xFFFFFF80  }
.Ltmp2:
0x4d: {  	(pc) =	sbr.rel @p0 .LBB2_7-.Ltmp2, $3  }
0x4e: {  	_ =	sdelay $0x1  }
0x4f: {  	_ =	swait.ge [sflag:s13], $0x80  }
0x50: {  	[sflag:s13] =	ssyncset.done $0x0  }
0x51: {  	s17 =	sadd.s32 $0x1, s17  }
0x52: {  	s16 =	sshll.u32 s16, $0x4;
	[sflag:s13] =	ssyncadd.s32 $0xFFFFFF80;
	p0 =	sne.s32 s17, $0x8  }
.Ltmp3:
0x53: {  	s18 =	sadd.s32 s7, s16;
	s16 =	simm.s32 $0x0;
	(pc) =	sbr.rel @p0 .LBB2_2-.Ltmp3, $4  }
0x54: {  	[hbm4b:s18+s16] =	stream.linear.scatter [tilespmem:s14], [sflag:$0x2], $0x10800, $0x38;
	[tilespmem:$0x10A80] =	vst v63  }
0x55: {  	_ =	swait.ge [sflag:s12], $0x10800  }
0x56: {  	[sflag:s12] =	ssyncset.done $0x0  }
0x57: {  	[sflag:s12] =	ssyncadd.s32 $0xFFFEF800  }
0x58: {  	s17 =	simm.s32 $0x0  }
.LBB2_10:
0x59: {  	s18 =	sshll.u32 s17, $0x9  }
0x5a: {  	s18 =	sadd.s32 s10, s18  }
0x5b: {  	s19 =	sshrl.u32 s18, $0x3  }
0x5c: {  	s19 =	sadd.s32 s6, s19  }
0x5d: {  	[tilespmem:s16], [sflag:$0x2] =	stream.linear.gather [hbm4b:s19+s16], $0x200, $0x38;
	[tilespmem:$0x10A80] =	vst v63  }
0x5e: {  	_ =	swait.ge [sflag:s12], $0x200  }
0x5f: {  	[sflag:s12] =	ssyncset.done $0x0  }
0x60: {  	s20 =	simm.s32 $0x0;
	s19 =	simm.s32 $0x280;
	[sflag:s12] =	ssyncadd.s32 $0xFFFFFE00  }
.LBB2_11:
0x61: {  	s21 =	sshll.u32 s20, $0x4  }
0x62: {  	v1 =	vld [tilespmem:s21+$0x0];
	_ =	sdelay $0x1  }
0x63: {  	s26 =	simm.s32 $0x0  }
0x64: {  	v2 =	vmov s26  }
0x65: {  	vm0 =	veq.s32 v2, v0  }
0x66: {  	v2 =	vnsel vm0, $0x0, v1  }
0x67: {  	(xrf0) =	vadd.scan.msk.s32 $0xffff, v2;
	_ =	sdelay $0x5  }
0x68: {  	v2, _, _ =	vpop (xrf0)  }
0x69: {  	(v2sf) =	vpush v2, $0xF  }
0x6a: {  	s28 =	simm.s32 $0x1  }
0x6b: {  	v2 =	vmov s28  }
0x6c: {  	vm12 =	veq.s32 v2, v0  }
0x6d: {  	s29 =	simm.s32 $0x2;
	v3 =	vnsel vm12, $0x0, v1  }
0x6e: {  	s30 =	simm.s32 $0x3;
	v2 =	vmov s29;
	(xrf0) =	vadd.scan.msk.s32 $0xffff, v3  }
0x6f: {  	vm13 =	veq.s32 v2, v0;
	v2 =	vmov s30  }
0x70: {  	v3 =	vnsel vm13, $0x0, v1;
	vm14 =	veq.s32 v2, v0  }
0x71: {  	(xrf0) =	vadd.scan.msk.s32 $0xffff, v3;
	v2 =	vnsel vm14, $0x0, v1  }
0x72: {  	(xrf0) =	vadd.scan.msk.s32 $0xffff, v2;
	_ =	sdelay $0x1  }
0x73: {  	s22 =	simm.s32 $0x4;
	v2, _, _ =	vpop (xrf0)  }
0x74: {  	v3 =	vmov s22;
	(v2sf) =	vpush v2, $0xF;
	_ =	sdelay $0x1  }
0x75: {  	v2, _, _ =	vpop (xrf0)  }
0x76: {  	vm15 =	veq.s32 v3, v0;
	v3, _, _ =	vpop (xrf0);
	s31 =	spop (v2sf);
	(v2sf) =	vpush v2, $0xF  }
0x77: {  	(v2sf) =	vpush v3, $0xF;
	_ =	sdelay $0x4  }
0x78: {  	s21 =	sshll.u32 s31, $0x4  }
0x79: {  	v2 =	vnsel vm15, $0x0, v1;
	s21 =	sand.u32 $0x1FFFFFF0, s21  }
0x7a: {  	(xrf0) =	vadd.scan.msk.s32 $0xffff, v2;
	s21 =	sadd.s32 s4, s21  }
0x7b: {  	[tilespmem:s19], [sflag:$0x1] =	stream.linear.gather [hbm4b:s21+s1], $0x80, $0x38;
	[tilespmem:$0x10A80] =	vst v63  }
0x7c: {  	s22 =	simm.s32 $0x5;
	s21 =	smov.u32 s19  }
.LBB2_12:
0x7d: {  	v2 =	vmov s22;
	p0 =	sne.s32 s22, $0xF;
	s22 =	sadd.s32 $0x1, s22  }
.Ltmp4:
0x7e: {  	vm0 =	veq.s32 v2, v0;
	s23 =	spop (v2sf);
	(pc) =	sbr.rel @p0 .LBB2_12-.Ltmp4, $4  }
0x7f: {  	v3 =	vnsel vm0, $0x0, v1;
	s23 =	sshll.u32 s23, $0x4  }
0x80: {  	(xrf0) =	vadd.scan.msk.s32 $0xffff, v3;
	v2, _, _ =	vpop (xrf0);
	s23 =	sand.u32 $0x1FFFFFF0, s23  }
0x81: {  	s21 =	sadd.s32 $0x80, s21;
	(v2sf) =	vpush v2, $0xF;
	s23 =	sadd.s32 s4, s23  }
0x82: {  	[tilespmem:s21], [sflag:$0x1] =	stream.linear.gather [hbm4b:s23+s1], $0x80, $0x38;
	[tilespmem:$0x10A80] =	vst v63  }
0x83: {  	_ =	sdelay $0x2  }
0x84: {  	v1, _, _ =	vpop (xrf0)  }
0x85: {  	s22 =	spop (v2sf);
	(v2sf) =	vpush v1, $0xF;
	_ =	sdelay $0x1  }
0x86: {  	s22 =	sshll.u32 s22, $0x4  }
0x87: {  	s22 =	sand.u32 $0x1FFFFFF0, s22  }
0x88: {  	s21 =	sadd.s32 $0x80, s21;
	s29 =	spop (v2sf);
	s22 =	sadd.s32 s4, s22  }
0x89: {  	[tilespmem:s21], [sflag:$0x1] =	stream.linear.gather [hbm4b:s22+s1], $0x80, $0x38;
	[tilespmem:$0x10A80] =	vst v63  }
0x8a: {  	s22 =	sshll.u32 s29, $0x4  }
0x8b: {  	s22 =	sand.u32 $0x1FFFFFF0, s22  }
0x8c: {  	s21 =	sadd.s32 $0x80, s21;
	s22 =	sadd.s32 s4, s22  }
0x8d: {  	[tilespmem:s21], [sflag:$0x1] =	stream.linear.gather [hbm4b:s22+s1], $0x80, $0x38;
	[tilespmem:$0x10A80] =	vst v63  }
0x8e: {  	s30 =	spop (v2sf)  }
0x8f: {  	s22 =	sshll.u32 s30, $0x4  }
0x90: {  	s20 =	sadd.s32 $0x1, s20;
	s22 =	sand.u32 $0x1FFFFFF0, s22  }
0x91: {  	p0 =	sne.s32 s20, $0x20;
	s21 =	sadd.s32 $0x80, s21;
	s22 =	sadd.s32 s4, s22  }
0x92: {  	[tilespmem:s21], [sflag:$0x1] =	stream.linear.gather [hbm4b:s22+s1], $0x80, $0x38;
	[tilespmem:$0x10A80] =	vst v63  }
.Ltmp5:
0x93: {  	s31 =	spop (v2sf);
	(pc) =	sbr.rel @p0 .LBB2_11-.Ltmp5, $4  }
0x94: {  	s22 =	sshll.u32 s31, $0x4  }
0x95: {  	s22 =	sand.u32 $0x1FFFFFF0, s22  }
0x96: {  	s19 =	sadd.s32 $0x800, s19;
	s21 =	sadd.s32 $0x80, s21;
	s22 =	sadd.s32 s4, s22  }
0x97: {  	[tilespmem:s21], [sflag:$0x1] =	stream.linear.gather [hbm4b:s22+s1], $0x80, $0x38;
	[tilespmem:$0x10A80] =	vst v63  }
0x98: {  	_ =	swait.ge [sflag:s13], $0x80  }
0x99: {  	s19 =	simm.s32 $0x1FF;
	[sflag:s13] =	ssyncset.done $0x0  }
.LBB2_15:
0x9a: {  	p0 =	sne.s32 s19, $0x1;
	s19 =	sadd.s32 $0xFFFFFFFF, s19;
	[sflag:s13] =	ssyncadd.s32 $0xFFFFFF80  }
.Ltmp6:
0x9b: {  	(pc) =	sbr.rel @p0 .LBB2_15-.Ltmp6, $3  }
0x9c: {  	_ =	sdelay $0x1  }
0x9d: {  	_ =	swait.ge [sflag:s13], $0x80  }
0x9e: {  	[sflag:s13] =	ssyncset.done $0x0  }
0x9f: {  	s17 =	sadd.s32 $0x1, s17  }
0xa0: {  	s18 =	sshll.u32 s18, $0x4;
	p0 =	sne.s32 s17, $0x4  }
.Ltmp7:
0xa1: {  	[sflag:s13] =	ssyncadd.s32 $0xFFFFFF80;
	s18 =	sadd.s32 s8, s18;
	(pc) =	sbr.rel @p0 .LBB2_10-.Ltmp7, $4  }
0xa2: {  	[hbm4b:s18+s1] =	stream.linear.scatter [tilespmem:s14], [sflag:$0x2], $0x10000, $0x38;
	[tilespmem:$0x10A80] =	vst v63  }
0xa3: {  	_ =	swait.ge [sflag:s12], $0x10000  }
0xa4: {  	[sflag:s12] =	ssyncset.done $0x0  }
0xa5: {  	[sflag:s12] =	ssyncadd.s32 $0xFFFF0000  }
0xa6: {  	s15 =	sadd.s32 $0x1, s15  }
0xa7: {  	p0 =	sne.s32 s15, s11  }
.Ltmp8:
0xa8: {  	_ = 	snop;
	(pc) =	sbr.rel @p0 .LBB2_1-.Ltmp8, $1  }
0xa9: {  	_ =	sdelay $0x3  }
0xaa: {  	_ =	sfence.sel $0x180000  }
0xab: {  	[bflag:$0x0] =	sbarrier.arrive $0xFFFF  }
0xac: {  	p0 =	sne.s32 s2, $0x0;
	_ =	strace $0x90000047  }
0xad: {  	s0 =	sadd.s32 @!p0 $0x100000, s0;
	[bflag:$0x2] =	sbarrier.arrive $0xFFFF  }
0xae: {  	[sflag:s0] =	ssyncadd.tile.s32 @!p0 $0x1;
	_ =	shalt  }
.Lfunc_end2:
_tile_overlayer_lowered:
.L_overlay_start_2:
0xaf: {  	(tag) =	ssettag $0x2  }
0xb0: {  	s0 =	rddreg [dreg:$0x0];
	s2 =	stileid.u32  }
0xb1: {  	s1 =	rddreg [dreg:$0x1];
	p0 =	sne.s32 s2, $0x0  }
0xb2: {  	s3 =	rddreg [dreg:$0x2];
	[bflag:$0x3] =	sbarrier.arrive $0xFFFF;
	s2 =	simm.s32 @!p0 $0x1C02  }
0xb3: {  	[timem:s3], [sflag:s2] =	dma.local @!p0 [hbm:s0], s1  }
0xb4: {  	s0 =	simm.s32 @!p0 $0x2  }
0xb5: {  	_ =	swait.ge @!p0 [sflag:s0], s1  }
0xb6: {  	s1 =	ssub.s32 @!p0 $0x0, s1;
	[sflag:s0] =	ssyncset.done @!p0 $0x0  }
0xb7: {  	[sflag:s0] =	ssyncadd.s32 @!p0 s1  }
0xb8: {  	[bflag:$0x3] =	sbarrier.arrive $0xFFFF  }
0xb9: {  	_ =	shalt  }

</sc_bundles>
